<compile_context>
chip_gen: v7x
topology: tpu7x:2x2x1
jax: 0.10.2.dev20260603
libtpu: 0.0.44.dev20260713+nightly
codegen_flags: <defaults>
</compile_context>

<pallas_src>
import functools

import jax
import jax.numpy as jnp
from jax import lax
from jax.experimental import pallas as pl
from jax.experimental.pallas import tpu as pltpu
from jax.experimental.pallas import tpu_sc as plsc

V = 1000000
D = 128
EMB = 2048
B = 4096

_NC = 2
_NS = 16
_NW = _NC * _NS
_BPW = B // _NW


def _make_gather():
    mesh = plsc.VectorSubcoreMesh(core_axis_name="c", subcore_axis_name="s")

    @functools.partial(
        pl.kernel,
        mesh=mesh,
        out_type=(
            jax.ShapeDtypeStruct((B, D), jnp.float32),
            jax.ShapeDtypeStruct((B, D), jnp.float32),
        ),
        scratch_types=[
            pltpu.VMEM((_BPW,), jnp.int32),
            pltpu.VMEM((_BPW, D), jnp.float32),
            pltpu.VMEM((_BPW, D), jnp.float32),
            pltpu.SemaphoreType.DMA,
            pltpu.SemaphoreType.DMA,
            pltpu.SemaphoreType.DMA,
            pltpu.SemaphoreType.DMA,
        ],
    )
    def gather_k(idx_hbm, ent_hbm, rel_hbm, ent_out, rel_out,
                 idx_v, ent_v, rel_v, sem_e, sem_r, sem_se, sem_sr):
        wid = lax.axis_index("s") * _NC + lax.axis_index("c")
        base = wid * _BPW
        pltpu.sync_copy(idx_hbm.at[pl.ds(base, _BPW)], idx_v)
        ce = pltpu.async_copy(ent_hbm.at[idx_v], ent_v, sem_e)
        cr = pltpu.async_copy(rel_hbm.at[idx_v], rel_v, sem_r)
        ce.wait()
        se = pltpu.async_copy(ent_v, ent_out.at[pl.ds(base, _BPW)], sem_se)
        cr.wait()
        sr = pltpu.async_copy(rel_v, rel_out.at[pl.ds(base, _BPW)], sem_sr)
        se.wait()
        sr.wait()

    return gather_k


_gather = _make_gather()

_BS = 512


def _mm_body(ent_ref, rel_ref, w_ref, b_ref, out_ref):
    w = w_ref[:]
    bias = b_ref[:]
    out_ref[:, 0, :] = (
        jnp.dot(ent_ref[:], w, preferred_element_type=jnp.float32) + bias
    )
    out_ref[:, 1, :] = (
        jnp.dot(rel_ref[:], w, preferred_element_type=jnp.float32) + bias
    )


_mm = pl.pallas_call(
    _mm_body,
    grid=(B // _BS,),
    in_specs=[
        pl.BlockSpec((_BS, D), lambda i: (i, 0)),
        pl.BlockSpec((_BS, D), lambda i: (i, 0)),
        pl.BlockSpec((D, EMB), lambda i: (0, 0)),
        pl.BlockSpec((1, EMB), lambda i: (0, 0)),
    ],
    out_specs=pl.BlockSpec((_BS, 2, EMB), lambda i: (i, 0, 0)),
    out_shape=jax.ShapeDtypeStruct((B, 2, EMB), jnp.float32),
)


def kernel(question_id, ent_table, rel_table, W, b):
    ent_g, rel_g = _gather(question_id, ent_table, rel_table)
    return _mm(ent_g, rel_g, W, b.reshape(1, EMB))

# --- scband reference (transcript-rebuilt; emitter-appended) ---
"""Pipeline reference for scband-pretrain-kgembedding-76587856822974 (READ-ONLY COPY).

The authoritative reference and input builder live on the scoring server;
editing this copy changes nothing except your own understanding.
"""

import jax, jax.numpy as jnp
import numpy as np

V = 1000000
D = 128          # pretrain_dim
NUM_PREFIX = 1
DIM_LLM = 2048
EMB = NUM_PREFIX * DIM_LLM
B = 4096


def setup_inputs(seed: int = 0) -> dict:
    key = jax.random.key(seed)
    k1, k2, k3, k4, k5 = jax.random.split(key, 5)
    ent_table = jax.random.normal(k1, (V, D), dtype=jnp.float32) * 0.02
    rel_table = jax.random.normal(k2, (V, D), dtype=jnp.float32) * 0.02
    W = jax.random.normal(k3, (D, EMB), dtype=jnp.float32) * (1.0 / np.sqrt(D))
    b = jax.random.normal(k4, (EMB,), dtype=jnp.float32) * 0.01
    question_id = jax.random.randint(k5, (B,), 0, V, dtype=jnp.int32)
    return {"question_id": question_id, "ent_table": ent_table, "rel_table": rel_table, "W": W, "b": b}


def reference(question_id, ent_table, rel_table, W, b):
    # mean_ent_embs = self.ent_embeddings(question_id)
    ent = jnp.take(ent_table, question_id, axis=0)          # [B, D]
    # mean_rel_embs = self.rel_embeddings(question_id)
    rel = jnp.take(rel_table, question_id, axis=0)          # [B, D]
    # pretrain_embs = torch.stack((ent, rel), dim=1)
    pretrain_embs = jnp.stack((ent, rel), axis=1)            # [B, 2, D]
    # prefix = self.adapter(pretrain_embs)
    prefix = jnp.einsum('btd,de->bte', pretrain_embs, W) + b  # [B, 2, EMB]
    return prefix

if __name__ == "__main__":
    import jax
    _d = setup_inputs()
    print(jax.jit(kernel)(*tuple(_d.values())))

</pallas_src>

<mosaic_0001>
#map = affine_map<(d0, d1) -> (0)>
#map1 = affine_map<(d0, d1) -> (0, 0)>
module attributes {stable_mosaic.version = 14 : i64} {
  func.func @gather_k(%arg0: i32, %arg1: i32, %arg2: memref<4096xi32, #tpu.memory_space<hbm>>, %arg3: memref<1000000x128xf32, #tpu.memory_space<hbm>>, %arg4: memref<1000000x128xf32, #tpu.memory_space<hbm>>, %arg5: memref<4096x128xf32, #tpu.memory_space<hbm>>, %arg6: memref<4096x128xf32, #tpu.memory_space<hbm>>, %arg7: memref<128xi32, #tpu.memory_space<vmem>>, %arg8: memref<128x128xf32, #tpu.memory_space<vmem>>, %arg9: memref<128x128xf32, #tpu.memory_space<vmem>>, %arg10: memref<!tpu.dma_semaphore, #tpu.memory_space<semaphore_mem>>, %arg11: memref<!tpu.dma_semaphore, #tpu.memory_space<semaphore_mem>>, %arg12: memref<!tpu.dma_semaphore, #tpu.memory_space<semaphore_mem>>, %arg13: memref<!tpu.dma_semaphore, #tpu.memory_space<semaphore_mem>>) attributes {dimension_semantics = [#tpu.dimension_semantics<core_parallel>, #tpu.dimension_semantics<subcore_parallel>], iteration_bounds = array<i64: 2, 16>, scalar_prefetch = 0 : i64, scratch_operands = 7 : i64, tpu.core_type = #tpu.core_type<sc_vector_subcore>, window_params = [{transform_indices = #map}, {transform_indices = #map1}, {transform_indices = #map1}, {transform_indices = #map1}, {transform_indices = #map1}]} {
    %mul3A = arith.constant 2 : i32
    %mul3A_0 = arith.muli %arg1, %mul3A : i32
    %add3A = arith.addi %mul3A_0, %arg0 : i32
    %mul3A_1 = arith.constant 128 : i32
    %mul3A_2 = arith.muli %add3A, %mul3A_1 : i32
    "tpu.region"() ({
      %run_scoped3A = tpu.sem_alloc : memref<!tpu.dma_semaphore, #tpu.memory_space<semaphore_mem>>
      %dma_start3A_29 = tpu.memref_slice %arg2[%mul3A_2] : memref<4096xi32, #tpu.memory_space<hbm>> -> memref<128xi32, #tpu.memory_space<hbm>>
      %dma_start3A_30 = tpu.memref_slice %arg2[%mul3A_2] : memref<4096xi32, #tpu.memory_space<hbm>> -> memref<128xi32, #tpu.memory_space<hbm>>
      tpu.enqueue_dma source(%dma_start3A_30 : memref<128xi32, #tpu.memory_space<hbm>>) target(%arg7 : memref<128xi32, #tpu.memory_space<vmem>>) target_semaphore(%run_scoped3A : memref<!tpu.dma_semaphore, #tpu.memory_space<semaphore_mem>>)
      %dma_wait3A_31 = tpu.memref_slice %arg2[%mul3A_2] : memref<4096xi32, #tpu.memory_space<hbm>> -> memref<128xi32, #tpu.memory_space<hbm>>
      %dma_wait3A_32 = tpu.memref_slice %arg2[%mul3A_2] : memref<4096xi32, #tpu.memory_space<hbm>> -> memref<128xi32, #tpu.memory_space<hbm>>
      tpu.wait_dma2 semaphore(%run_scoped3A : memref<!tpu.dma_semaphore, #tpu.memory_space<semaphore_mem>>) src(%dma_wait3A_32 : memref<128xi32, #tpu.memory_space<hbm>>) dst(%arg7 : memref<128xi32, #tpu.memory_space<vmem>>)
      tpu.yield
    }) : () -> ()
    %dma_start3A = arith.constant 0 : i32
    %dma_start3A_3 = arith.constant 0 : i32
    %dma_start3A_4 = tpu.memref_slice %arg3[%dma_start3A, %dma_start3A_3] : memref<1000000x128xf32, #tpu.memory_space<hbm>> -> memref<1000000x128xf32, #tpu.memory_space<hbm>>
    tpu.enqueue_indirect_dma source(%dma_start3A_4 : memref<1000000x128xf32, #tpu.memory_space<hbm>>) target(%arg8 : memref<128x128xf32, #tpu.memory_space<vmem>>) offsets(%arg7 : memref<128xi32, #tpu.memory_space<vmem>>) semaphore(%arg10 : memref<!tpu.dma_semaphore, #tpu.memory_space<semaphore_mem>>)
    %dma_start3A_5 = arith.constant 0 : i32
    %dma_start3A_6 = arith.constant 0 : i32
    %dma_start3A_7 = tpu.memref_slice %arg4[%dma_start3A_5, %dma_start3A_6] : memref<1000000x128xf32, #tpu.memory_space<hbm>> -> memref<1000000x128xf32, #tpu.memory_space<hbm>>
    tpu.enqueue_indirect_dma source(%dma_start3A_7 : memref<1000000x128xf32, #tpu.memory_space<hbm>>) target(%arg9 : memref<128x128xf32, #tpu.memory_space<vmem>>) offsets(%arg7 : memref<128xi32, #tpu.memory_space<vmem>>) semaphore(%arg11 : memref<!tpu.dma_semaphore, #tpu.memory_space<semaphore_mem>>)
    %dma_wait3A = arith.constant 0 : i32
    %dma_wait3A_8 = arith.constant 0 : i32
    %dma_wait3A_9 = tpu.memref_slice %arg3[%dma_wait3A, %dma_wait3A_8] : memref<1000000x128xf32, #tpu.memory_space<hbm>> -> memref<1000000x128xf32, #tpu.memory_space<hbm>>
    tpu.wait_indirect_dma semaphore(%arg10 : memref<!tpu.dma_semaphore, #tpu.memory_space<semaphore_mem>>) src(%dma_wait3A_9 : memref<1000000x128xf32, #tpu.memory_space<hbm>>) dst(%arg8 : memref<128x128xf32, #tpu.memory_space<vmem>>)
    %dma_start3A_10 = arith.constant 0 : i32
    %dma_start3A_11 = tpu.memref_slice %arg5[%mul3A_2, %dma_start3A_10] : memref<4096x128xf32, #tpu.memory_space<hbm>> -> memref<128x128xf32, #tpu.memory_space<hbm>>
    %dma_start3A_12 = arith.constant 0 : i32
    %dma_start3A_13 = tpu.memref_slice %arg5[%mul3A_2, %dma_start3A_12] : memref<4096x128xf32, #tpu.memory_space<hbm>> -> memref<128x128xf32, #tpu.memory_space<hbm>>
    tpu.enqueue_dma source(%arg8 : memref<128x128xf32, #tpu.memory_space<vmem>>) target(%dma_start3A_13 : memref<128x128xf32, #tpu.memory_space<hbm>>) target_semaphore(%arg12 : memref<!tpu.dma_semaphore, #tpu.memory_space<semaphore_mem>>)
    %dma_wait3A_14 = arith.constant 0 : i32
    %dma_wait3A_15 = arith.constant 0 : i32
    %dma_wait3A_16 = tpu.memref_slice %arg4[%dma_wait3A_14, %dma_wait3A_15] : memref<1000000x128xf32, #tpu.memory_space<hbm>> -> memref<1000000x128xf32, #tpu.memory_space<hbm>>
    tpu.wait_indirect_dma semaphore(%arg11 : memref<!tpu.dma_semaphore, #tpu.memory_space<semaphore_mem>>) src(%dma_wait3A_16 : memref<1000000x128xf32, #tpu.memory_space<hbm>>) dst(%arg9 : memref<128x128xf32, #tpu.memory_space<vmem>>)
    %dma_start3A_17 = arith.constant 0 : i32
    %dma_start3A_18 = tpu.memref_slice %arg6[%mul3A_2, %dma_start3A_17] : memref<4096x128xf32, #tpu.memory_space<hbm>> -> memref<128x128xf32, #tpu.memory_space<hbm>>
    %dma_start3A_19 = arith.constant 0 : i32
    %dma_start3A_20 = tpu.memref_slice %arg6[%mul3A_2, %dma_start3A_19] : memref<4096x128xf32, #tpu.memory_space<hbm>> -> memref<128x128xf32, #tpu.memory_space<hbm>>
    tpu.enqueue_dma source(%arg9 : memref<128x128xf32, #tpu.memory_space<vmem>>) target(%dma_start3A_20 : memref<128x128xf32, #tpu.memory_space<hbm>>) target_semaphore(%arg13 : memref<!tpu.dma_semaphore, #tpu.memory_space<semaphore_mem>>)
    %dma_wait3A_21 = arith.constant 0 : i32
    %dma_wait3A_22 = tpu.memref_slice %arg5[%mul3A_2, %dma_wait3A_21] : memref<4096x128xf32, #tpu.memory_space<hbm>> -> memref<128x128xf32, #tpu.memory_space<hbm>>
    %dma_wait3A_23 = arith.constant 0 : i32
    %dma_wait3A_24 = tpu.memref_slice %arg5[%mul3A_2, %dma_wait3A_23] : memref<4096x128xf32, #tpu.memory_space<hbm>> -> memref<128x128xf32, #tpu.memory_space<hbm>>
    tpu.wait_dma2 semaphore(%arg12 : memref<!tpu.dma_semaphore, #tpu.memory_space<semaphore_mem>>) src(%arg8 : memref<128x128xf32, #tpu.memory_space<vmem>>) dst(%dma_wait3A_24 : memref<128x128xf32, #tpu.memory_space<hbm>>)
    %dma_wait3A_25 = arith.constant 0 : i32
    %dma_wait3A_26 = tpu.memref_slice %arg6[%mul3A_2, %dma_wait3A_25] : memref<4096x128xf32, #tpu.memory_space<hbm>> -> memref<128x128xf32, #tpu.memory_space<hbm>>
    %dma_wait3A_27 = arith.constant 0 : i32
    %dma_wait3A_28 = tpu.memref_slice %arg6[%mul3A_2, %dma_wait3A_27] : memref<4096x128xf32, #tpu.memory_space<hbm>> -> memref<128x128xf32, #tpu.memory_space<hbm>>
    tpu.wait_dma2 semaphore(%arg13 : memref<!tpu.dma_semaphore, #tpu.memory_space<semaphore_mem>>) src(%arg9 : memref<128x128xf32, #tpu.memory_space<vmem>>) dst(%dma_wait3A_28 : memref<128x128xf32, #tpu.memory_space<hbm>>)
    return
  }
}

module attributes {stable_mosaic.version = 14 : i64} {
  func.func @_mm_body(%arg0: i32, %arg1: memref<512x128xf32, #tpu.memory_space<vmem>>, %arg2: memref<512x128xf32, #tpu.memory_space<vmem>>, %arg3: memref<128x2048xf32, #tpu.memory_space<vmem>>, %arg4: memref<1x2048xf32, #tpu.memory_space<vmem>>, %arg5: memref<512x2x2048xf32, #tpu.memory_space<vmem>>) attributes {dimension_semantics = [#tpu.dimension_semantics<arbitrary>], iteration_bounds = array<i64: 8>, scalar_prefetch = 0 : i64, scratch_operands = 0 : i64, tpu.core_type = #tpu.core_type<tc>, window_params = [{transform_indices = @transform_0, window_bounds = array<i64: 512, 128>}, {transform_indices = @transform_1, window_bounds = array<i64: 512, 128>}, {pipeline_mode = #tpu.pipeline_mode<synchronous>, transform_indices = @transform_2, window_bounds = array<i64: 128, 2048>}, {pipeline_mode = #tpu.pipeline_mode<synchronous>, transform_indices = @transform_3, window_bounds = array<i64: 1, 2048>}, {transform_indices = @transform_4, window_bounds = array<i64: 512, 2, 2048>}]} {
    %get3A = arith.constant 0 : index
    %get3A_0 = arith.constant 0 : index
    %get3A_1 = vector.load %arg3[%get3A, %get3A_0] : memref<128x2048xf32, #tpu.memory_space<vmem>>, vector<128x2048xf32>
    %get3A_2 = arith.constant 0 : index
    %get3A_3 = arith.constant 0 : index
    %get3A_4 = vector.load %arg4[%get3A_2, %get3A_3] : memref<1x2048xf32, #tpu.memory_space<vmem>>, vector<1x2048xf32>
    %get3A_5 = arith.constant 0 : index
    %get3A_6 = arith.constant 0 : index
    %get3A_7 = vector.load %arg1[%get3A_5, %get3A_6] : memref<512x128xf32, #tpu.memory_space<vmem>>, vector<512x128xf32>
    %dot_general3A = arith.constant dense<0.000000e+00> : vector<512x2048xf32>
    %dot_general3A_8 = tpu.matmul %get3A_7, %get3A_1, %dot_general3A {dimension_numbers = #tpu.dot_dimension_numbers<[1], [0], [0], [1], [0, 0, 1, 1], [], []>, transpose_lhs_hint = false} : vector<512x128xf32>, vector<128x2048xf32>, vector<512x2048xf32> -> vector<512x2048xf32>
    %add3A = vector.broadcast %get3A_4 : vector<1x2048xf32> to vector<512x2048xf32>
    %add3A_9 = arith.addf %dot_general3A_8, %add3A : vector<512x2048xf32>
    %swap3A = arith.constant 0 : index
    %swap3A_10 = arith.constant 0 : index
    %swap3A_11 = arith.constant 0 : index
    %swap3A_12 = vector.load %arg5[%swap3A, %swap3A_10, %swap3A_11] : memref<512x2x2048xf32, #tpu.memory_space<vmem>>, vector<512x1x2048xf32>
    %swap3A_13 = vector.shape_cast %swap3A_12 : vector<512x1x2048xf32> to vector<512x2048xf32>
    %swap3A_14 = vector.shape_cast %add3A_9 : vector<512x2048xf32> to vector<512x1x2048xf32>
    tpu.vector_store %arg5[%swap3A, %swap3A_10, %swap3A_11], %swap3A_14 {strides = array<i32>} : memref<512x2x2048xf32, #tpu.memory_space<vmem>>, vector<512x1x2048xf32>,
    %get3A_15 = arith.constant 0 : index
    %get3A_16 = arith.constant 0 : index
    %get3A_17 = vector.load %arg2[%get3A_15, %get3A_16] : memref<512x128xf32, #tpu.memory_space<vmem>>, vector<512x128xf32>
    %dot_general3A_18 = arith.constant dense<0.000000e+00> : vector<512x2048xf32>
    %dot_general3A_19 = tpu.matmul %get3A_17, %get3A_1, %dot_general3A_18 {dimension_numbers = #tpu.dot_dimension_numbers<[1], [0], [0], [1], [0, 0, 1, 1], [], []>, transpose_lhs_hint = false} : vector<512x128xf32>, vector<128x2048xf32>, vector<512x2048xf32> -> vector<512x2048xf32>
    %add3A_20 = vector.broadcast %get3A_4 : vector<1x2048xf32> to vector<512x2048xf32>
    %add3A_21 = arith.addf %dot_general3A_19, %add3A_20 : vector<512x2048xf32>
    %swap3A_22 = arith.constant 0 : index
    %swap3A_23 = arith.constant 1 : index
    %swap3A_24 = arith.constant 0 : index
    %swap3A_25 = vector.load %arg5[%swap3A_22, %swap3A_23, %swap3A_24] : memref<512x2x2048xf32, #tpu.memory_space<vmem>>, vector<512x1x2048xf32>
    %swap3A_26 = vector.shape_cast %swap3A_25 : vector<512x1x2048xf32> to vector<512x2048xf32>
    %swap3A_27 = vector.shape_cast %add3A_21 : vector<512x2048xf32> to vector<512x1x2048xf32>
    tpu.vector_store %arg5[%swap3A_22, %swap3A_23, %swap3A_24], %swap3A_27 {strides = array<i32>} : memref<512x2x2048xf32, #tpu.memory_space<vmem>>, vector<512x1x2048xf32>,
    return
  }
  func.func @transform_0(%arg0: i32) -> (i32, i32) {
    %c0_i32 = arith.constant 0 : i32
    %c0_i32_0 = arith.constant 0 : i32
    return %arg0, %c0_i32 : i32, i32
  }
  func.func @transform_1(%arg0: i32) -> (i32, i32) {
    %c0_i32 = arith.constant 0 : i32
    %c0_i32_0 = arith.constant 0 : i32
    return %arg0, %c0_i32 : i32, i32
  }
  func.func @transform_2(%arg0: i32) -> (i32, i32) {
    %c0_i32 = arith.constant 0 : i32
    %c0_i32_0 = arith.constant 0 : i32
    %c0_i32_1 = arith.constant 0 : i32
    return %c0_i32, %c0_i32_0 : i32, i32
  }
  func.func @transform_3(%arg0: i32) -> (i32, i32) {
    %c0_i32 = arith.constant 0 : i32
    %c0_i32_0 = arith.constant 0 : i32
    %c0_i32_1 = arith.constant 0 : i32
    return %c0_i32, %c0_i32_0 : i32, i32
  }
  func.func @transform_4(%arg0: i32) -> (i32, i32, i32) {
    %c0_i32 = arith.constant 0 : i32
    %c0_i32_0 = arith.constant 0 : i32
    %c0_i32_1 = arith.constant 0 : i32
    return %arg0, %c0_i32, %c0_i32_0 : i32, i32, i32
  }
}

</mosaic_0001>

<sc_bundles>
// kernel: kernel.4.cloned.1.call-start
scs
__scs_entry_jumppad:
0x0: {  	(pc) =	sbr.rel $0x88, $3  }
0x1: {  	(tag) =	ssettag $0x0;
	lr =	simm.s32 $0x1  }
0x2: {  	[smem:$0x3F9C] =	sst lr;
	_ =	strace $0xD0000000  }
0x3: {  	_ = 	snop  }
0x4: {  	_ = 	snop  }
0x5: {  	_ = 	snop  }
0x6: {  	_ = 	snop  }
0x7: {  	_ = 	snop  }
__scs_overlays_trampoline_lowered:
0x8: {  	[smem:$0x3FAB] =	sst s0  }
0x9: {  	[smem:$0x3FAC] =	sst s1  }
0xa: {  	[smem:$0x3FAD] =	sst s2  }
0xb: {  	[smem:$0x3FAE] =	sst s3  }
0xc: {  	[smem:$0x3FAF] =	sst s4  }
0xd: {  	[smem:$0x3FB0] =	sst s5  }
0xe: {  	[smem:$0x3FB1] =	sst s6  }
0xf: {  	[smem:$0x3FB2] =	sst s7  }
0x10: {  	[smem:$0x3FB3] =	sst s8  }
0x11: {  	[smem:$0x3FB4] =	sst s9;
	s0 =	simm.s32 @!p0 $0x0  }
0x12: {  	s1 =	sld [smem:$0x3F9A];
	s0 =	simm.s32 @p0 $0x1  }
0x13: {  	[smem:$0x3FB5] =	sst s0;
	s0 =	simm.s32 @!p1 $0x0  }
0x14: {  	s2 =	sld [smem:$0x3F99];
	s0 =	simm.s32 @p1 $0x1  }
0x15: {  	[smem:$0x3FB6] =	sst s0;
	s0 =	simm.s32 @!p2 $0x0  }
0x16: {  	s3 =	sld [smem:$0x3FDB];
	s0 =	simm.s32 @p2 $0x1  }
0x17: {  	s4 =	simm.s32 $0x1BF5;
	[smem:$0x3FB8] =	sst s0  }
0x18: {  	s0 =	sld [smem:$0x3F9B];
	_ =	swait.ge [sflag:s4], $0x0  }
0x19: {  	s7 =	sld [smem:$0x3F9C]  }
0x1a: {  	s8 =	sadd.s32 $0xFFFFE003, lr  }
0x1b: {  	s9 =	sadd.s32 $0xFFFFFEF7, lr;
	s5 =	simm.s32 $0xFFFFFFFF;
	p2 =	slt.u32 s8, $0xFFFFF086  }
0x1c: {  	p1 =	slt.u32 s9, $0xF7A;
	s5 =	simm.s32 @!p2 $0x0  }
0x1d: {  	s5 =	simm.s32 @p1 $0x1;
	p0 =	seq.s32 s7, s2  }
0x1e: {  	s7 =	smul.u32 @!p0 $0xF7A, s2;
	p2 =	seq.s32 @!p0 s5, $0x0  }
0x1f: {  	s9 =	smul.u32 $0xF7A, s1;
	s8 =	simm.s32 @!p0 $0x1BF5;
	p2 =	por !p2, p0  }
0x20: {  	[sflag:s8] =	ssyncset.s32 @!p0 $0xFFFFF086;
	s6 =	sadd.s32 @!p0 s3, s7;
	s7 =	simm.s32 @!p0 $0x108  }
0x21: {  	s3 =	sadd.s32 s3, s9;
	s6 =	sadd.s32 @!p0 $0x88, s6;
	s7 =	simm.s32 @p2 $0x1082  }
0x22: {  	[simem:s7], [sflag:s8] =	dma.local @!p0 [hbm:s6], $0xF7A  }
0x23: {  	s9 =	sor.u32 $0xD0000000, s2;
	s6 =	simm.s32 $0x108;
	_ =	swait.ge @!p0 [sflag:s8], $0x0  }
0x24: {  	s3 =	sadd.s32 $0x88, s3;
	s6 =	simm.s32 @!p1 $0x1082;
	[sflag:s4] =	ssyncset.s32 $0xFFFFF086  }
0x25: {  	[simem:s6], [sflag:s4] =	dma.local [hbm:s3], $0xF7A  }
0x26: {  	[smem:$0x3F9C] =	sst s1;
	(tag) =	ssettag s2;
	_ =	strace s9  }
0x27: {  	s1 =	sld [smem:$0x3FAC]  }
0x28: {  	s2 =	sld [smem:$0x3FAD]  }
0x29: {  	s4 =	sld [smem:$0x3FAF]  }
0x2a: {  	p0 =	seq.s32 s5, $0x0;
	s5 =	sld [smem:$0x3FB0]  }
0x2b: {  	s6 =	sld [smem:$0x3FB1]  }
0x2c: {  	s7 =	sld [smem:$0x3FB2]  }
0x2d: {  	s3 =	simm.s32 $0x108;
	s8 =	sld [smem:$0x3FB3]  }
0x2e: {  	s3 =	simm.s32 @!p0 $0x1082;
	s9 =	sld [smem:$0x3FB4]  }
0x2f: {  	lr =	sadd.s32 s0, s3;
	s0 =	sld [smem:$0x3FAB]  }
0x30: {  	s3 =	sld [smem:$0x3FAE]  }
0x31: {  	[smem:$0x3FB7] =	sst s10  }
0x32: {  	s10 =	sld [smem:$0x3FB5];
	_ =	sdelay $0x3  }
0x33: {  	p0 =	seq.s32 s10, $0x1;
	s10 =	sld [smem:$0x3FB7];
	_ =	sdelay $0x3  }
0x34: {  	[smem:$0x3FB7] =	sst s10  }
0x35: {  	s10 =	sld [smem:$0x3FB6];
	_ =	sdelay $0x3  }
0x36: {  	p1 =	seq.s32 s10, $0x1;
	s10 =	sld [smem:$0x3FB7];
	_ =	sdelay $0x3  }
0x37: {  	[smem:$0x3FB7] =	sst s10  }
0x38: {  	s10 =	sld [smem:$0x3FB8]  }
0x39: {  	_ = 	snop;
	(pc) =	sbr.ind lr, $3  }
0x3a: {  	_ = 	snop  }
0x3b: {  	_ = 	snop  }
0x3c: {  	p2 =	seq.s32 s10, $0x1;
	s10 =	sld [smem:$0x3FB7]  }
0x3d: {  	_ =	shalt  }
0x3e: {  	_ =	shalt  }
0x3f: {  	_ =	shalt  }
0x40: {  	_ =	shalt  }
0x41: {  	_ =	shalt  }
0x42: {  	_ =	shalt  }
0x43: {  	_ =	shalt  }
0x44: {  	_ =	shalt  }
0x45: {  	_ =	shalt  }
0x46: {  	_ =	shalt  }
0x47: {  	_ =	shalt  }
0x48: {  	_ =	shalt  }
0x49: {  	_ =	shalt  }
0x4a: {  	_ =	shalt  }
0x4b: {  	_ =	shalt  }
0x4c: {  	_ =	shalt  }
0x4d: {  	_ =	shalt  }
0x4e: {  	_ =	shalt  }
0x4f: {  	_ =	shalt  }
0x50: {  	_ =	shalt  }
0x51: {  	_ =	shalt  }
0x52: {  	_ =	shalt  }
0x53: {  	_ =	shalt  }
0x54: {  	_ =	shalt  }
0x55: {  	_ =	shalt  }
0x56: {  	_ =	shalt  }
0x57: {  	_ =	shalt  }
0x58: {  	_ =	shalt  }
0x59: {  	_ =	shalt  }
0x5a: {  	_ =	shalt  }
0x5b: {  	_ =	shalt  }
0x5c: {  	_ =	shalt  }
0x5d: {  	_ =	shalt  }
0x5e: {  	_ =	shalt  }
0x5f: {  	_ =	shalt  }
0x60: {  	_ =	shalt  }
0x61: {  	_ =	shalt  }
0x62: {  	_ =	shalt  }
0x63: {  	_ =	shalt  }
0x64: {  	_ =	shalt  }
0x65: {  	_ =	shalt  }
0x66: {  	_ =	shalt  }
0x67: {  	_ =	shalt  }
0x68: {  	_ =	shalt  }
0x69: {  	_ =	shalt  }
0x6a: {  	_ =	shalt  }
0x6b: {  	_ =	shalt  }
0x6c: {  	_ =	shalt  }
0x6d: {  	_ =	shalt  }
0x6e: {  	_ =	shalt  }
0x6f: {  	_ =	shalt  }
0x70: {  	_ =	shalt  }
0x71: {  	_ =	shalt  }
0x72: {  	_ =	shalt  }
0x73: {  	_ =	shalt  }
0x74: {  	_ =	shalt  }
0x75: {  	_ =	shalt  }
0x76: {  	_ =	shalt  }
0x77: {  	_ =	shalt  }
0x78: {  	_ =	shalt  }
0x79: {  	_ =	shalt  }
0x7a: {  	_ =	shalt  }
0x7b: {  	_ =	shalt  }
0x7c: {  	_ =	shalt  }
0x7d: {  	_ =	shalt  }
0x7e: {  	_ =	shalt  }
0x7f: {  	_ =	shalt  }
0x80: {  	_ =	shalt  }
0x81: {  	_ =	shalt  }
0x82: {  	_ =	shalt  }
0x83: {  	_ =	shalt  }
0x84: {  	_ =	shalt  }
0x85: {  	_ =	shalt  }
0x86: {  	_ =	shalt  }
0x87: {  	_ =	shalt  }
.Lfunc_end0:
.L_simem_size_0:
called_computation_lowered:
.L_overlay_start_0:
0x88: {  	s2 =	sld [smem:$0x3FD9]  }
0x89: {  	s3 =	sld [smem:$0x3FFE];
	_ =	sdelay $0x1  }
0x8a: {  	s1 =	srdreg.scid  }
0x8b: {  	s0 =	sand.u32 $0x1, s1  }
0x8c: {  	s17 =	sshll.u32 s0, $0xA;
	s2 =	sadd.s32 s3, s2  }
0x8d: {  	s2 =	sadd.s32 s2, s17  }
0x8e: {  	[smem:$0x3FC3] =	sst s2  }
0x8f: {  	_ = 	snop  }
0x90: {  	s2 =	sld [smem:$0x3FC9]  }
0x91: {  	s18 =	sld [smem:$0x3FC8]  }
0x92: {  	s4 =	sld [smem:$0x3FC7]  }
0x93: {  	s5 =	sld [smem:$0x3FD0];
	(tm) =	ssettm $0x1  }
0x94: {  	s6 =	sld [smem:$0x3FFB];
	_ =	sdelay $0x3  }
0x95: {  	_ =	strace s6  }
0x96: {  	s6 =	sld [smem:$0x3FFC];
	_ =	sdelay $0x3  }
0x97: {  	_ =	strace s6  }
0x98: {  	s6 =	sld [smem:$0x3FFD];
	_ =	sdelay $0x3  }
0x99: {  	_ =	strace s6  }
0x9a: {  	_ =	strace $0x8FFFFFFF  }
0x9b: {  	s19 =	sld [smem:$0x3FDB];
	_ =	sdelay $0x1  }
0x9c: {  	s7 =	simm.s32 $_scs_section_size  }
0x9d: {  	s8 =	simm.s32 $_size__tile_overlayer_lowered;
	s9 =	simm.s32 $_tile_overlayer_lowered  }
0x9e: {  	s22 =	simm.s32 $0x1BFF;
	s21 =	sshll.u32 s9, $0x1;
	s6 =	sadd.s32 s7, s19  }
0x9f: {  	s10 =	simm.s32 $0x0;
	s20 =	sshll.u32 s8, $0x1;
	s8 =	sadd.s32 s21, s6  }
0xa0: {  	[timem:s10], [sflag:s22] =	dma.local [hbm:s8], s20  }
0xa1: {  	_ =	swait.ge [sflag:s22], s20  }
0xa2: {  	s7 =	ssub.s32 $0x0, s20;
	[sflag:s22] =	ssyncset.done $0x0  }
0xa3: {  	[sflag:s22] =	ssyncadd.s32 s7;
	_ =	sdelay $0x1  }
0xa4: {  	s23 =	simm.s32 $0x1B8B  }
0xa5: {  	_ =	swait.ge [sflag:s23], $0x1  }
0xa6: {  	[sflag:s23] =	ssyncset.done $0x0  }
0xa7: {  	s25 =	simm.s32 $0x1B8E;
	s24 =	sld [smem:$0x3FFE];
	[sflag:s23] =	ssyncadd.s32 $0xFFFFFFFF  }
0xa8: {  	s26 =	simm.s32 $execute0_lowered;
	[smem:$0x3FD2] =	sst s25  }
0xa9: {  	s8 =	sshll.u32 s26, $0x1;
	_ =	strace $0x80000046;
	[dreg:$0x1] =	wrdreg $0xFFFFFFFF  }
0xaa: {  	s28 =	simm.s32 $_size_execute0_lowered;
	s6 =	sadd.s32 s6, s8;
	[dreg:$0x0] =	wrdreg $0x0  }
0xab: {  	s8 =	sshll.u32 s28, $0x1;
	[dreg:$0x2] =	wrdreg s6  }
0xac: {  	[dreg:$0x3] =	wrdreg s8  }
0xad: {  	[dreg:$0x4] =	wrdreg $0xC0  }
0xae: {  	_ =	task [dreg:s10], $0x5FFFF  }
0xaf: {  	[dreg:$0x1] =	wrdreg $0xFFFFFFFF  }
0xb0: {  	[dreg:$0x0] =	wrdreg $0x60  }
0xb1: {  	[dreg:$0x2] =	wrdreg s2  }
0xb2: {  	[dreg:$0x3] =	wrdreg s18  }
0xb3: {  	[dreg:$0x4] =	wrdreg s4  }
0xb4: {  	[dreg:$0x5] =	wrdreg s5  }
0xb5: {  	[dreg:$0x6] =	wrdreg s24  }
0xb6: {  	[dreg:$0x7] =	wrdreg $0x9  }
0xb7: {  	_ =	task.clear_ibuf [dreg:s10], $0x8FFFF;
	_ =	strace $0x90000046  }
0xb8: {  	s29 =	simm.s32 $0x9;
	_ =	strace $0x80000048  }
0xb9: {  	_ =	swait.ge [sflag:s29], $0x1  }
0xba: {  	[sflag:s29] =	ssyncadd.s32 $0xFFFFFFFF  }
0xbb: {  	_ =	strace $0x90000048  }
0xbc: {  	_ =	sfence  }
0xbd: {  	s30 =	sld [smem:$0x0];
	_ =	sdelay $0x2  }
0xbe: {  	s31 =	sshll.u32 s1, $0xD;
	s1 =	sshrl.u32 s1, $0x2  }
0xbf: {  	s3 =	sand.u32 $0x4000, s31;
	s1 =	sadd.s32 s1, s30  }
0xc0: {  	s0 =	sor.u32 s3, s0;
	s1 =	sshll.u32 s1, $0x11  }
0xc1: {  	s0 =	sor.u32 s1, s0  }
0xc2: {  	s0 =	sadd.s32 $0x8F2B, s0  }
0xc3: {  	[sflag:s0] =	ssyncadd.remote.s32 $0x1  }
0xc4: {  	_ =	sfence.sel $0xFFFF  }
0xc5: {  	[dreg:$0x0] =	wrdreg $0xFFFFFFFF;
	(pc) =	sbr.abs _section_cstart, $3  }
0xc6: {  	[dreg:$0x1] =	wrdreg $0xFFFFFFFF  }
0xc7: {  	_ =	task.clear_ibuf [dreg:s10], $0x2FFFF;
	_ =	strace $0x9FFFFFFF  }
0xc8: {  	(tm) =	ssettm $0x7FFFFFFF  }
0xc9: {  	_ =	shalt  }
tec
execute0_lowered:
.L_overlay_start_1:
0x0: {  	(tag) =	ssettag $0x1  }
0x1: {  	s5 =	rddreg [dreg:$0x0]  }
0x2: {  	s1 =	rddreg [dreg:$0x1]  }
0x3: {  	s2 =	rddreg [dreg:$0x2];
	s3 =	srdreg.scid  }
0x4: {  	s10 =	rddreg [dreg:$0x3];
	s0 =	stileid.u32;
	s12 =	sand.u32 $0x1, s3  }
0x5: {  	s13 =	rddreg [dreg:$0x4];
	s6 =	sshll.u32 s0, $0x8;
	s7 =	sshll.u32 s12, $0x7  }
0x6: {  	s4 =	simm.s32 $0x0;
	s3 =	rddreg [dreg:$0x5];
	s11 =	sor.u32 s7, s6  }
0x7: {  	[smem:$0x7FF] =	sst s4;
	s6 =	sshrl.u32 s11, $0x3  }
0x8: {  	_ =	strace $0x80000047;
	s5 =	sadd.s32 s5, s6;
	s6 =	simm.s32 $0x5  }
0x9: {  	[tilespmem:s4], [sflag:$0x5] =	stream.linear.gather [hbm4b:s5+s4], $0x80, $0x38;
	[tilespmem:$0x8080] =	vst v63  }
0xa: {  	_ =	swait.ge [sflag:s6], $0x80  }
0xb: {  	[sflag:s6] =	ssyncset.done $0x0  }
0xc: {  	s7 =	simm.s32 $0x80;
	[sflag:s6] =	ssyncadd.s32 $0xFFFFFF80  }
0xd: {  	[tilespmem:s7], [sflag:$0x1] =	stream.indirect.gather [hbm4b:s1+s7], $0x80, s4, s7, $0xb8;
	[tilespmem:$0x8080] =	vst v63  }
0xe: {  	s8 =	simm.s32 $0x4080;
	s9 =	simm.s32 $0x1  }
0xf: {  	[tilespmem:s8], [sflag:$0x2] =	stream.indirect.gather [hbm4b:s2+s7], $0x80, s4, s7, $0xb8;
	[tilespmem:$0x8080] =	vst v63  }
0x10: {  	s31 =	ssub.s32 $0x2, s12;
	_ =	swait.ge [sflag:s9], $0x4000  }
0x11: {  	s15 =	sshrl.u32 s31, $0x1;
	s14 =	sshll.u32 s11, $0x4;
	[sflag:s9] =	ssyncset.done $0x0  }
0x12: {  	s11 =	simm.s32 $0x2;
	s10 =	sadd.s32 s10, s14;
	[sflag:s9] =	ssyncadd.s32 $0xFFFFC000  }
0x13: {  	[hbm4b:s10+s4] =	stream.linear.scatter [tilespmem:s7], [sflag:$0x3], $0x4000, $0x38;
	[tilespmem:$0x8080] =	vst v63  }
0x14: {  	s13 =	sadd.s32 s14, s13;
	s14 =	ssub.s32 s31, s15;
	_ =	swait.ge [sflag:s11], $0x4000  }
0x15: {  	s12 =	sadd.s32 $0x1000, s13;
	s15 =	smax.u32 s14, $0x1;
	[sflag:s11] =	ssyncset.done $0x0  }
0x16: {  	s13 =	simm.s32 $0x3;
	p0 =	sne.s32 s15, $0x1;
	[sflag:s11] =	ssyncadd.s32 $0xFFFFC000  }
0x17: {  	[hbm4b:s12+s4] =	stream.linear.scatter [tilespmem:s8], [sflag:$0x4], $0x4000, $0x38;
	[tilespmem:$0x8080] =	vst v63  }
.Ltmp0:
0x18: {  	_ =	swait.ge [sflag:s13], $0x4000;
	(pc) =	sbr.rel @!p0 .LBB2_2-.Ltmp0, $4  }
0x19: {  	[sflag:s13] =	ssyncset.done $0x0  }
0x1a: {  	s14 =	simm.s32 $0x4;
	[sflag:s13] =	ssyncadd.s32 $0xFFFFC000  }
0x1b: {  	_ =	swait.ge [sflag:s14], $0x4000  }
0x1c: {  	s15 =	sadd.s32 $0xFFFFFFFF, s15;
	[sflag:s14] =	ssyncset.done $0x0  }
.LBB2_1:
0x1d: {  	p0 =	sne.s32 s15, $0x1;
	s15 =	sadd.s32 $0xFFFFFFFF, s15;
	[sflag:s14] =	ssyncadd.s32 $0xFFFFC000  }
0x1e: {  	[tilespmem:s4], [sflag:$0x5] =	stream.linear.gather [hbm4b:s5+s4], $0x80, $0x38;
	[tilespmem:$0x8080] =	vst v63  }
0x1f: {  	_ =	swait.ge [sflag:s6], $0x80  }
0x20: {  	[sflag:s6] =	ssyncset.done $0x0  }
0x21: {  	[sflag:s6] =	ssyncadd.s32 $0xFFFFFF80  }
0x22: {  	[tilespmem:s7], [sflag:$0x1] =	stream.indirect.gather [hbm4b:s1+s7], $0x80, s4, s7, $0xb8;
	[tilespmem:$0x8080] =	vst v63  }
0x23: {  	_ = 	snop  }
0x24: {  	[tilespmem:s8], [sflag:$0x2] =	stream.indirect.gather [hbm4b:s2+s7], $0x80, s4, s7, $0xb8;
	[tilespmem:$0x8080] =	vst v63  }
0x25: {  	_ =	swait.ge [sflag:s9], $0x4000  }
0x26: {  	[sflag:s9] =	ssyncset.done $0x0  }
0x27: {  	[sflag:s9] =	ssyncadd.s32 $0xFFFFC000  }
0x28: {  	[hbm4b:s10+s4] =	stream.linear.scatter [tilespmem:s7], [sflag:$0x3], $0x4000, $0x38;
	[tilespmem:$0x8080] =	vst v63  }
0x29: {  	_ =	swait.ge [sflag:s11], $0x4000  }
0x2a: {  	[sflag:s11] =	ssyncset.done $0x0  }
0x2b: {  	[sflag:s11] =	ssyncadd.s32 $0xFFFFC000  }
0x2c: {  	[hbm4b:s12+s4] =	stream.linear.scatter [tilespmem:s8], [sflag:$0x4], $0x4000, $0x38;
	[tilespmem:$0x8080] =	vst v63  }
.Ltmp1:
0x2d: {  	_ =	swait.ge [sflag:s13], $0x4000;
	(pc) =	sbr.rel @p0 .LBB2_1-.Ltmp1, $4  }
0x2e: {  	[sflag:s13] =	ssyncset.done $0x0  }
0x2f: {  	[sflag:s13] =	ssyncadd.s32 $0xFFFFC000  }
0x30: {  	_ =	swait.ge [sflag:s14], $0x4000  }
0x31: {  	[sflag:s14] =	ssyncset.done $0x0  }
.LBB2_2:
0x32: {  	[sflag:s14] =	ssyncadd.s32 $0xFFFFC000  }
0x33: {  	_ =	sfence.sel $0x180000  }
0x34: {  	[bflag:$0x0] =	sbarrier.arrive $0xFFFF  }
0x35: {  	p0 =	sne.s32 s0, $0x0;
	_ =	strace $0x90000047  }
0x36: {  	s0 =	sadd.s32 @!p0 $0x100000, s3;
	[bflag:$0x2] =	sbarrier.arrive $0xFFFF  }
0x37: {  	[sflag:s0] =	ssyncadd.tile.s32 @!p0 $0x1;
	_ =	shalt  }
.Lfunc_end2:
_tile_overlayer_lowered:
.L_overlay_start_2:
0x38: {  	(tag) =	ssettag $0x2  }
0x39: {  	s0 =	rddreg [dreg:$0x0];
	s2 =	stileid.u32  }
0x3a: {  	s1 =	rddreg [dreg:$0x1];
	p0 =	sne.s32 s2, $0x0  }
0x3b: {  	s3 =	rddreg [dreg:$0x2];
	[bflag:$0x3] =	sbarrier.arrive $0xFFFF;
	s2 =	simm.s32 @!p0 $0x1C05  }
0x3c: {  	[timem:s3], [sflag:s2] =	dma.local @!p0 [hbm:s0], s1  }
0x3d: {  	s0 =	simm.s32 @!p0 $0x5  }
0x3e: {  	_ =	swait.ge @!p0 [sflag:s0], s1  }
0x3f: {  	s1 =	ssub.s32 @!p0 $0x0, s1;
	[sflag:s0] =	ssyncset.done @!p0 $0x0  }
0x40: {  	[sflag:s0] =	ssyncadd.s32 @!p0 s1  }
0x41: {  	[bflag:$0x3] =	sbarrier.arrive $0xFFFF  }
0x42: {  	_ =	shalt  }

</sc_bundles>
